<compile_context>
chip_gen: v7x
topology: tpu7x:2x2x1
jax: 0.10.2.dev20260603
libtpu: 0.0.44.dev20260713+nightly
codegen_flags: <defaults>
</compile_context>

<pallas_src>
import jax
import jax.numpy as jnp
from jax import lax
from jax.experimental import pallas as pl
from jax.experimental.pallas import tpu as pltpu
from jax.experimental.pallas import tpu_sc as plsc

_N = 10000
_E = 320000
_D = 128
_EPS = 1e-5

_NC = 2
_NS = 16
_NW = _NC * _NS
_CH = 112
_NCHUNK = 90
_EPW = _NCHUNK * _CH
_RPT = 624
_RTAIL = _N - _NS * _RPT
_NPAD = 80


def _matmul_body(x_ref, w_ref, z_ref):
    z_ref[...] = lax.dot_general(
        x_ref[...].astype(jnp.bfloat16), w_ref[...].astype(jnp.bfloat16),
        dimension_numbers=(((1,), (1,)), ((), ())),
        preferred_element_type=jnp.float32,
    )


def _project(x_padded, W):
    return pl.pallas_call(
        _matmul_body,
        out_shape=jax.ShapeDtypeStruct((_N + _NPAD, _D), jnp.float32),
    )(x_padded, W)


def _sc_body(z_hbm, src_hbm, dst_hbm, out_hbm,
             srcs, dsts, rows0, rows1, hpart,
             gsem0, gsem1, ssem0, ssem1):
    cid = lax.axis_index("core")
    sid = lax.axis_index("subcore")
    wid = cid * _NS + sid

    pltpu.sync_copy(src_hbm.at[wid], srcs)
    pltpu.sync_copy(dst_hbm.at[wid], dsts)

    @pl.loop(0, _CH)
    def _zero_rows(i):
        @pl.loop(0, _D, step=16)
        def _zero_lane(j):
            rows0[i, pl.ds(j, 16)] = jnp.zeros((16,), jnp.float32)

    row0 = sid * _RPT
    @pl.loop(0, _RPT // _CH)
    def _zero_hpart(k):
        pltpu.sync_copy(rows0, hpart.at[pl.ds(row0 + k * _CH, _CH)])
    _tail = _RPT % _CH
    pltpu.sync_copy(rows0.at[pl.ds(0, _tail)],
                    hpart.at[pl.ds(row0 + _RPT - _tail, _tail)])

    @pl.when(sid == _NS - 1)
    def _zero_last():
        pltpu.sync_copy(rows0.at[pl.ds(0, _RTAIL)],
                        hpart.at[pl.ds(_NS * _RPT, _RTAIL)])

    def _src_slice(j):
        return srcs.at[pl.ds(j * _CH, _CH)]

    pltpu.async_copy(z_hbm.at[_src_slice(0)], rows0, gsem0)
    pltpu.async_copy(z_hbm.at[_src_slice(1)], rows1, gsem1)

    plsc.subcore_barrier()

    @pl.loop(0, _NCHUNK // 2)
    def _pair(k):
        j = 2 * k
        pltpu.make_async_copy(z_hbm.at[_src_slice(j)], rows0, gsem0).wait()
        pltpu.async_copy(rows0, hpart.at[dsts.at[j]], ssem0, add=True)
        pltpu.make_async_copy(z_hbm.at[_src_slice(j + 1)], rows1, gsem1).wait()
        pltpu.async_copy(rows1, hpart.at[dsts.at[j + 1]], ssem1, add=True)
        pltpu.make_async_copy(rows0, hpart.at[dsts.at[j]], ssem0).wait()
        @pl.when(j + 2 < _NCHUNK)
        def _next0():
            pltpu.async_copy(z_hbm.at[_src_slice(j + 2)], rows0, gsem0)
        pltpu.make_async_copy(rows1, hpart.at[dsts.at[j + 1]], ssem1).wait()
        @pl.when(j + 3 < _NCHUNK)
        def _next1():
            pltpu.async_copy(z_hbm.at[_src_slice(j + 3)], rows1, gsem1)

    plsc.subcore_barrier()

    pltpu.sync_copy(hpart.at[pl.ds(row0, _RPT)],
                    out_hbm.at[cid, pl.ds(row0, _RPT)])

    @pl.when(sid == _NS - 1)
    def _write_last():
        pltpu.sync_copy(hpart.at[pl.ds(_NS * _RPT, _RTAIL)],
                        out_hbm.at[cid, pl.ds(_NS * _RPT, _RTAIL)])


def _sc_aggregate(z, src, dst):
    mesh = plsc.VectorSubcoreMesh(core_axis_name="core",
                                  subcore_axis_name="subcore")
    f = pl.kernel(
        _sc_body,
        out_type=jax.ShapeDtypeStruct((_NC, _N, _D), jnp.float32),
        mesh=mesh,
        scratch_types=[
            pltpu.VMEM((_EPW,), jnp.int32),
            pltpu.VMEM((_NCHUNK, _CH), jnp.int32),
            pltpu.VMEM((_CH, _D), jnp.float32),
            pltpu.VMEM((_CH, _D), jnp.float32),
            pltpu.VMEM_SHARED((_N, _D), jnp.float32),
            pltpu.SemaphoreType.DMA,
            pltpu.SemaphoreType.DMA,
            pltpu.SemaphoreType.DMA,
            pltpu.SemaphoreType.DMA,
        ],
    )
    return f(z, src, dst)


def _bn_body(p_ref, g_ref, b_ref, o_ref):
    h = p_ref[0] + p_ref[1]
    mean = jnp.mean(h, axis=0, keepdims=True)
    c = h - mean
    var = jnp.mean(c * c, axis=0, keepdims=True)
    hn = c * lax.rsqrt(var + _EPS) * g_ref[...][None, :] + b_ref[...][None, :]
    o_ref[...] = jnp.where(hn > 0, hn, jnp.exp(jnp.minimum(hn, 0.0)) - 1.0)


def _bn_elu(parts, gamma, beta):
    return pl.pallas_call(
        _bn_body,
        out_shape=jax.ShapeDtypeStruct((_N, _D), jnp.float32),
    )(parts, gamma, beta)


def kernel(x, edge_index, W, gamma, beta):
    x_padded = jnp.pad(x, ((0, _NPAD), (0, 0)))
    z = _project(x_padded, W)
    pad_e = _EPW - _E // _NW
    pad_src = jnp.broadcast_to(_N + jnp.arange(pad_e, dtype=jnp.int32) % _NPAD,
                               (_NW, pad_e))
    pad_dst = jnp.broadcast_to(jnp.arange(pad_e, dtype=jnp.int32) % _N,
                               (_NW, pad_e))
    src = jnp.concatenate(
        [edge_index[0].reshape(_NW, _E // _NW), pad_src], axis=1)
    dst = jnp.concatenate(
        [edge_index[1].reshape(_NW, _E // _NW), pad_dst], axis=1)
    parts = _sc_aggregate(z, src, dst.reshape(_NW, _NCHUNK, _CH))
    return _bn_elu(parts, gamma, beta)

# --- scband reference (transcript-rebuilt; emitter-appended) ---
"""Pipeline reference for scband-custom-gathead-layer-isotropic-25632364822809 (READ-ONLY COPY).

The authoritative reference and input builder live on the scoring server;
editing this copy changes nothing except your own understanding.
"""

import jax, jax.numpy as jnp
import numpy as np

N = 10000
E = 320000
D = 128
EPS = 1e-5

def setup_inputs(seed: int = 0) -> dict:
    key = jax.random.key(seed)
    k1, k2, k3 = jax.random.split(key, 3)
    x = jax.random.normal(k1, (N, D), dtype=jnp.float32)
    edge_index = jax.random.randint(k2, (2, E), 0, N, dtype=jnp.int32)
    # learned params: fc weight (Linear no bias, stored [out_dim, in_dim]), batchnorm affine
    W = jax.random.normal(k3, (D, D), dtype=jnp.float32) * 0.05
    gamma = jnp.ones((D,), dtype=jnp.float32)
    beta = jnp.zeros((D,), dtype=jnp.float32)
    return {"x": x, "edge_index": edge_index, "W": W, "gamma": gamma, "beta": beta}

def reference(x, edge_index, W, gamma, beta):
    # z = fc(h)
    z = x @ W.T
    src = edge_index[0]
    dst = edge_index[1]
    # message: z of source node; reduce: sum over incoming edges (dst segment)
    msgs = jnp.take(z, src, axis=0)
    h = jax.ops.segment_sum(msgs, dst, num_segments=N)
    # BatchNorm1d in training mode: batch statistics (biased variance)
    mean = jnp.mean(h, axis=0)
    var = jnp.var(h, axis=0)
    h = (h - mean) / jnp.sqrt(var + EPS) * gamma + beta
    # ELU; dropout p=0.0 is identity
    h = jax.nn.elu(h)
    return h

if __name__ == "__main__":
    import jax
    _d = setup_inputs()
    print(jax.jit(kernel)(*tuple(_d.values())))

</pallas_src>

<mosaic_0001>
#map = affine_map<(d0, d1) -> (0, 0)>
#map1 = affine_map<(d0, d1) -> (0, 0, 0)>
module attributes {stable_mosaic.version = 14 : i64} {
  func.func @_sc_body(%arg0: i32, %arg1: i32, %arg2: memref<10080x128xf32, #tpu.memory_space<hbm>>, %arg3: memref<32x10080xi32, #tpu.memory_space<hbm>>, %arg4: memref<32x90x112xi32, #tpu.memory_space<hbm>>, %arg5: memref<2x10000x128xf32, #tpu.memory_space<hbm>>, %arg6: memref<10080xi32, #tpu.memory_space<vmem>>, %arg7: memref<90x112xi32, #tpu.memory_space<vmem>>, %arg8: memref<112x128xf32, #tpu.memory_space<vmem>>, %arg9: memref<112x128xf32, #tpu.memory_space<vmem>>, %arg10: memref<10000x128xf32, #tpu.memory_space<vmem_shared>>, %arg11: memref<!tpu.dma_semaphore, #tpu.memory_space<semaphore_mem>>, %arg12: memref<!tpu.dma_semaphore, #tpu.memory_space<semaphore_mem>>, %arg13: memref<!tpu.dma_semaphore, #tpu.memory_space<semaphore_mem>>, %arg14: memref<!tpu.dma_semaphore, #tpu.memory_space<semaphore_mem>>) attributes {dimension_semantics = [#tpu.dimension_semantics<core_parallel>, #tpu.dimension_semantics<subcore_parallel>], iteration_bounds = array<i64: 2, 16>, scalar_prefetch = 0 : i64, scratch_operands = 9 : i64, tpu.core_type = #tpu.core_type<sc_vector_subcore>, window_params = [{transform_indices = #map}, {transform_indices = #map}, {transform_indices = #map1}, {transform_indices = #map1}]} {
    %mul3A = arith.constant 16 : i32
    %mul3A_0 = arith.muli %arg0, %mul3A : i32
    %add3A = arith.addi %mul3A_0, %arg1 : i32
    "tpu.region"() ({
      %run_scoped3A = tpu.sem_alloc : memref<!tpu.dma_semaphore, #tpu.memory_space<semaphore_mem>>
      %dma_start3A_37 = arith.constant 0 : i32
      %dma_start3A_38 = tpu.memref_slice %arg3[%add3A, %dma_start3A_37] : memref<32x10080xi32, #tpu.memory_space<hbm>> -> memref<1x10080xi32, #tpu.memory_space<hbm>>
      %dma_start3A_39 = tpu.memref_squeeze %dma_start3A_38 : memref<1x10080xi32, #tpu.memory_space<hbm>> -> memref<10080xi32, #tpu.memory_space<hbm>>
      %dma_start3A_40 = arith.constant 0 : i32
      %dma_start3A_41 = tpu.memref_slice %arg3[%add3A, %dma_start3A_40] : memref<32x10080xi32, #tpu.memory_space<hbm>> -> memref<1x10080xi32, #tpu.memory_space<hbm>>
      %dma_start3A_42 = tpu.memref_squeeze %dma_start3A_41 : memref<1x10080xi32, #tpu.memory_space<hbm>> -> memref<10080xi32, #tpu.memory_space<hbm>>
      tpu.enqueue_dma source(%dma_start3A_42 : memref<10080xi32, #tpu.memory_space<hbm>>) target(%arg6 : memref<10080xi32, #tpu.memory_space<vmem>>) target_semaphore(%run_scoped3A : memref<!tpu.dma_semaphore, #tpu.memory_space<semaphore_mem>>)
      %dma_wait3A = arith.constant 0 : i32
      %dma_wait3A_43 = tpu.memref_slice %arg3[%add3A, %dma_wait3A] : memref<32x10080xi32, #tpu.memory_space<hbm>> -> memref<1x10080xi32, #tpu.memory_space<hbm>>
      %dma_wait3A_44 = tpu.memref_squeeze %dma_wait3A_43 : memref<1x10080xi32, #tpu.memory_space<hbm>> -> memref<10080xi32, #tpu.memory_space<hbm>>
      %dma_wait3A_45 = arith.constant 0 : i32
      %dma_wait3A_46 = tpu.memref_slice %arg3[%add3A, %dma_wait3A_45] : memref<32x10080xi32, #tpu.memory_space<hbm>> -> memref<1x10080xi32, #tpu.memory_space<hbm>>
      %dma_wait3A_47 = tpu.memref_squeeze %dma_wait3A_46 : memref<1x10080xi32, #tpu.memory_space<hbm>> -> memref<10080xi32, #tpu.memory_space<hbm>>
      tpu.wait_dma2 semaphore(%run_scoped3A : memref<!tpu.dma_semaphore, #tpu.memory_space<semaphore_mem>>) src(%dma_wait3A_47 : memref<10080xi32, #tpu.memory_space<hbm>>) dst(%arg6 : memref<10080xi32, #tpu.memory_space<vmem>>)
      tpu.yield
    }) : () -> ()
    "tpu.region"() ({
      %run_scoped3A = tpu.sem_alloc : memref<!tpu.dma_semaphore, #tpu.memory_space<semaphore_mem>>
      %dma_start3A_37 = arith.constant 0 : i32
      %dma_start3A_38 = arith.constant 0 : i32
      %dma_start3A_39 = tpu.memref_slice %arg4[%add3A, %dma_start3A_37, %dma_start3A_38] : memref<32x90x112xi32, #tpu.memory_space<hbm>> -> memref<1x90x112xi32, #tpu.memory_space<hbm>>
      %dma_start3A_40 = tpu.memref_squeeze %dma_start3A_39 : memref<1x90x112xi32, #tpu.memory_space<hbm>> -> memref<90x112xi32, #tpu.memory_space<hbm>>
      %dma_start3A_41 = arith.constant 0 : i32
      %dma_start3A_42 = arith.constant 0 : i32
      %dma_start3A_43 = tpu.memref_slice %arg4[%add3A, %dma_start3A_41, %dma_start3A_42] : memref<32x90x112xi32, #tpu.memory_space<hbm>> -> memref<1x90x112xi32, #tpu.memory_space<hbm>>
      %dma_start3A_44 = tpu.memref_squeeze %dma_start3A_43 : memref<1x90x112xi32, #tpu.memory_space<hbm>> -> memref<90x112xi32, #tpu.memory_space<hbm>>
      tpu.enqueue_dma source(%dma_start3A_44 : memref<90x112xi32, #tpu.memory_space<hbm>>) target(%arg7 : memref<90x112xi32, #tpu.memory_space<vmem>>) target_semaphore(%run_scoped3A : memref<!tpu.dma_semaphore, #tpu.memory_space<semaphore_mem>>)
      %dma_wait3A = arith.constant 0 : i32
      %dma_wait3A_45 = arith.constant 0 : i32
      %dma_wait3A_46 = tpu.memref_slice %arg4[%add3A, %dma_wait3A, %dma_wait3A_45] : memref<32x90x112xi32, #tpu.memory_space<hbm>> -> memref<1x90x112xi32, #tpu.memory_space<hbm>>
      %dma_wait3A_47 = tpu.memref_squeeze %dma_wait3A_46 : memref<1x90x112xi32, #tpu.memory_space<hbm>> -> memref<90x112xi32, #tpu.memory_space<hbm>>
      %dma_wait3A_48 = arith.constant 0 : i32
      %dma_wait3A_49 = arith.constant 0 : i32
      %dma_wait3A_50 = tpu.memref_slice %arg4[%add3A, %dma_wait3A_48, %dma_wait3A_49] : memref<32x90x112xi32, #tpu.memory_space<hbm>> -> memref<1x90x112xi32, #tpu.memory_space<hbm>>
      %dma_wait3A_51 = tpu.memref_squeeze %dma_wait3A_50 : memref<1x90x112xi32, #tpu.memory_space<hbm>> -> memref<90x112xi32, #tpu.memory_space<hbm>>
      tpu.wait_dma2 semaphore(%run_scoped3A : memref<!tpu.dma_semaphore, #tpu.memory_space<semaphore_mem>>) src(%dma_wait3A_51 : memref<90x112xi32, #tpu.memory_space<hbm>>) dst(%arg7 : memref<90x112xi32, #tpu.memory_space<vmem>>)
      tpu.yield
    }) : () -> ()
    %scan3A = arith.constant 0 : i32
    %scan3A_1 = arith.constant 112 : i32
    %scan3A_2 = arith.addi %scan3A, %scan3A_1 : i32
    %scan3A_3 = arith.constant 1 : i32
    scf.for %scan3A_37 = %scan3A to %scan3A_2 step %scan3A_3  : i32 {
      %mul3A_38 = arith.constant 1 : i32
      %mul3A_39 = arith.muli %scan3A_37, %mul3A_38 : i32
      %add3A_40 = arith.constant 0 : i32
      %add3A_41 = arith.addi %add3A_40, %mul3A_39 : i32
      %scan3A_42 = arith.constant 0 : i32
      %scan3A_43 = arith.constant 8 : i32
      %scan3A_44 = arith.addi %scan3A_42, %scan3A_43 : i32
      %scan3A_45 = arith.constant 1 : i32
      scf.for %scan3A_47 = %scan3A_42 to %scan3A_44 step %scan3A_45  : i32 {
        %mul3A_48 = arith.constant 16 : i32
        %mul3A_49 = arith.muli %scan3A_47, %mul3A_48 : i32
        %add3A_50 = arith.constant 0 : i32
        %add3A_51 = arith.addi %add3A_50, %mul3A_49 : i32
        %broadcast_in_dim3A = arith.constant 0.000000e+00 : f32
        %broadcast_in_dim3A_52 = vector.broadcast %broadcast_in_dim3A : f32 to vector<16xf32>
        %swap3A = arith.index_cast %add3A_41 : i32 to index
        %swap3A_53 = arith.index_cast %add3A_51 : i32 to index
        %swap3A_54 = tpu.vector_load %arg8[%swap3A, %swap3A_53] {strides = array<i32>} : memref<112x128xf32, #tpu.memory_space<vmem>>, vector<1x16xf32>,
        %swap3A_55 = vector.shape_cast %swap3A_54 : vector<1x16xf32> to vector<16xf32>
        %swap3A_56 = vector.shape_cast %broadcast_in_dim3A_52 : vector<16xf32> to vector<1x16xf32>
        tpu.vector_store %arg8[%swap3A, %swap3A_53], %swap3A_56 {strides = array<i32>} : memref<112x128xf32, #tpu.memory_space<vmem>>, vector<1x16xf32>,
      }
      %scan3A_46 = arith.constant 8 : i32
    }
    %scan3A_4 = arith.constant 112 : i32
    %mul3A_5 = arith.constant 624 : i32
    %mul3A_6 = arith.muli %arg1, %mul3A_5 : i32
    %scan3A_7 = arith.constant 0 : i32
    %scan3A_8 = arith.constant 5 : i32
    %scan3A_9 = arith.addi %scan3A_7, %scan3A_8 : i32
    %scan3A_10 = arith.constant 1 : i32
    scf.for %scan3A_37 = %scan3A_7 to %scan3A_9 step %scan3A_10  : i32 {
      %mul3A_38 = arith.constant 1 : i32
      %mul3A_39 = arith.muli %scan3A_37, %mul3A_38 : i32
      %add3A_40 = arith.constant 0 : i32
      %add3A_41 = arith.addi %add3A_40, %mul3A_39 : i32
      %mul3A_42 = arith.constant 112 : i32
      %mul3A_43 = arith.muli %add3A_41, %mul3A_42 : i32
      %add3A_44 = arith.addi %mul3A_6, %mul3A_43 : i32
      "tpu.region"() ({
        %run_scoped3A = tpu.sem_alloc : memref<!tpu.dma_semaphore, #tpu.memory_space<semaphore_mem>>
        %dma_start3A_45 = arith.constant 0 : i32
        %dma_start3A_46 = tpu.memref_slice %arg10[%add3A_44, %dma_start3A_45] : memref<10000x128xf32, #tpu.memory_space<vmem_shared>> -> memref<112x128xf32, #tpu.memory_space<vmem_shared>>
        %dma_start3A_47 = arith.constant 0 : i32
        %dma_start3A_48 = tpu.memref_slice %arg10[%add3A_44, %dma_start3A_47] : memref<10000x128xf32, #tpu.memory_space<vmem_shared>> -> memref<112x128xf32, #tpu.memory_space<vmem_shared>>
        tpu.enqueue_dma source(%arg8 : memref<112x128xf32, #tpu.memory_space<vmem>>) target(%dma_start3A_48 : memref<112x128xf32, #tpu.memory_space<vmem_shared>>) target_semaphore(%run_scoped3A : memref<!tpu.dma_semaphore, #tpu.memory_space<semaphore_mem>>)
        %dma_wait3A = arith.constant 0 : i32
        %dma_wait3A_49 = tpu.memref_slice %arg10[%add3A_44, %dma_wait3A] : memref<10000x128xf32, #tpu.memory_space<vmem_shared>> -> memref<112x128xf32, #tpu.memory_space<vmem_shared>>
        %dma_wait3A_50 = arith.constant 0 : i32
        %dma_wait3A_51 = tpu.memref_slice %arg10[%add3A_44, %dma_wait3A_50] : memref<10000x128xf32, #tpu.memory_space<vmem_shared>> -> memref<112x128xf32, #tpu.memory_space<vmem_shared>>
        tpu.wait_dma2 semaphore(%run_scoped3A : memref<!tpu.dma_semaphore, #tpu.memory_space<semaphore_mem>>) src(%arg8 : memref<112x128xf32, #tpu.memory_space<vmem>>) dst(%dma_wait3A_51 : memref<112x128xf32, #tpu.memory_space<vmem_shared>>)
        tpu.yield
      }) : () -> ()
    }
    %scan3A_11 = arith.constant 5 : i32
    %add3A_12 = arith.constant 624 : i32
    %add3A_13 = arith.addi %mul3A_6, %add3A_12 : i32
    %sub3A = arith.constant 64 : i32
    %sub3A_14 = arith.subi %add3A_13, %sub3A : i32
    "tpu.region"() ({
      %run_scoped3A = tpu.sem_alloc : memref<!tpu.dma_semaphore, #tpu.memory_space<semaphore_mem>>
      %dma_start3A_37 = arith.constant 0 : i32
      %dma_start3A_38 = arith.constant 0 : i32
      %dma_start3A_39 = tpu.memref_slice %arg8[%dma_start3A_37, %dma_start3A_38] : memref<112x128xf32, #tpu.memory_space<vmem>> -> memref<64x128xf32, #tpu.memory_space<vmem>>
      %dma_start3A_40 = arith.constant 0 : i32
      %dma_start3A_41 = tpu.memref_slice %arg10[%sub3A_14, %dma_start3A_40] : memref<10000x128xf32, #tpu.memory_space<vmem_shared>> -> memref<64x128xf32, #tpu.memory_space<vmem_shared>>
      %dma_start3A_42 = arith.constant 0 : i32
      %dma_start3A_43 = tpu.memref_slice %arg10[%sub3A_14, %dma_start3A_42] : memref<10000x128xf32, #tpu.memory_space<vmem_shared>> -> memref<64x128xf32, #tpu.memory_space<vmem_shared>>
      %dma_start3A_44 = arith.constant 0 : i32
      %dma_start3A_45 = arith.constant 0 : i32
      %dma_start3A_46 = tpu.memref_slice %arg8[%dma_start3A_44, %dma_start3A_45] : memref<112x128xf32, #tpu.memory_space<vmem>> -> memref<64x128xf32, #tpu.memory_space<vmem>>
      tpu.enqueue_dma source(%dma_start3A_46 : memref<64x128xf32, #tpu.memory_space<vmem>>) target(%dma_start3A_43 : memref<64x128xf32, #tpu.memory_space<vmem_shared>>) target_semaphore(%run_scoped3A : memref<!tpu.dma_semaphore, #tpu.memory_space<semaphore_mem>>)
      %dma_wait3A = arith.constant 0 : i32
      %dma_wait3A_47 = arith.constant 0 : i32
      %dma_wait3A_48 = tpu.memref_slice %arg8[%dma_wait3A, %dma_wait3A_47] : memref<112x128xf32, #tpu.memory_space<vmem>> -> memref<64x128xf32, #tpu.memory_space<vmem>>
      %dma_wait3A_49 = arith.constant 0 : i32
      %dma_wait3A_50 = tpu.memref_slice %arg10[%sub3A_14, %dma_wait3A_49] : memref<10000x128xf32, #tpu.memory_space<vmem_shared>> -> memref<64x128xf32, #tpu.memory_space<vmem_shared>>
      %dma_wait3A_51 = arith.constant 0 : i32
      %dma_wait3A_52 = tpu.memref_slice %arg10[%sub3A_14, %dma_wait3A_51] : memref<10000x128xf32, #tpu.memory_space<vmem_shared>> -> memref<64x128xf32, #tpu.memory_space<vmem_shared>>
      %dma_wait3A_53 = arith.constant 0 : i32
      %dma_wait3A_54 = arith.constant 0 : i32
      %dma_wait3A_55 = tpu.memref_slice %arg8[%dma_wait3A_53, %dma_wait3A_54] : memref<112x128xf32, #tpu.memory_space<vmem>> -> memref<64x128xf32, #tpu.memory_space<vmem>>
      tpu.wait_dma2 semaphore(%run_scoped3A : memref<!tpu.dma_semaphore, #tpu.memory_space<semaphore_mem>>) src(%dma_wait3A_55 : memref<64x128xf32, #tpu.memory_space<vmem>>) dst(%dma_wait3A_52 : memref<64x128xf32, #tpu.memory_space<vmem_shared>>)
      tpu.yield
    }) : () -> ()
    %eq3A = arith.constant 15 : i32
    %eq3A_15 = arith.cmpi eq, %arg1, %eq3A : i32
    %convert_element_type3A = arith.extui %eq3A_15 : i1 to i32
    %cond3A = arith.constant 0 : i32
    %cond3A_16 = arith.cmpi ne, %convert_element_type3A, %cond3A : i32
    scf.if %cond3A_16 {
      "tpu.region"() ({
        %run_scoped3A = tpu.sem_alloc : memref<!tpu.dma_semaphore, #tpu.memory_space<semaphore_mem>>
        %dma_start3A_37 = arith.constant 0 : i32
        %dma_start3A_38 = arith.constant 0 : i32
        %dma_start3A_39 = tpu.memref_slice %arg8[%dma_start3A_37, %dma_start3A_38] : memref<112x128xf32, #tpu.memory_space<vmem>> -> memref<16x128xf32, #tpu.memory_space<vmem>>
        %dma_start3A_40 = arith.constant 9984 : i32
        %dma_start3A_41 = arith.constant 0 : i32
        %dma_start3A_42 = tpu.memref_slice %arg10[%dma_start3A_40, %dma_start3A_41] : memref<10000x128xf32, #tpu.memory_space<vmem_shared>> -> memref<16x128xf32, #tpu.memory_space<vmem_shared>>
        %dma_start3A_43 = arith.constant 9984 : i32
        %dma_start3A_44 = arith.constant 0 : i32
        %dma_start3A_45 = tpu.memref_slice %arg10[%dma_start3A_43, %dma_start3A_44] : memref<10000x128xf32, #tpu.memory_space<vmem_shared>> -> memref<16x128xf32, #tpu.memory_space<vmem_shared>>
        %dma_start3A_46 = arith.constant 0 : i32
        %dma_start3A_47 = arith.constant 0 : i32
        %dma_start3A_48 = tpu.memref_slice %arg8[%dma_start3A_46, %dma_start3A_47] : memref<112x128xf32, #tpu.memory_space<vmem>> -> memref<16x128xf32, #tpu.memory_space<vmem>>
        tpu.enqueue_dma source(%dma_start3A_48 : memref<16x128xf32, #tpu.memory_space<vmem>>) target(%dma_start3A_45 : memref<16x128xf32, #tpu.memory_space<vmem_shared>>) target_semaphore(%run_scoped3A : memref<!tpu.dma_semaphore, #tpu.memory_space<semaphore_mem>>)
        %dma_wait3A = arith.constant 0 : i32
        %dma_wait3A_49 = arith.constant 0 : i32
        %dma_wait3A_50 = tpu.memref_slice %arg8[%dma_wait3A, %dma_wait3A_49] : memref<112x128xf32, #tpu.memory_space<vmem>> -> memref<16x128xf32, #tpu.memory_space<vmem>>
        %dma_wait3A_51 = arith.constant 9984 : i32
        %dma_wait3A_52 = arith.constant 0 : i32
        %dma_wait3A_53 = tpu.memref_slice %arg10[%dma_wait3A_51, %dma_wait3A_52] : memref<10000x128xf32, #tpu.memory_space<vmem_shared>> -> memref<16x128xf32, #tpu.memory_space<vmem_shared>>
        %dma_wait3A_54 = arith.constant 9984 : i32
        %dma_wait3A_55 = arith.constant 0 : i32
        %dma_wait3A_56 = tpu.memref_slice %arg10[%dma_wait3A_54, %dma_wait3A_55] : memref<10000x128xf32, #tpu.memory_space<vmem_shared>> -> memref<16x128xf32, #tpu.memory_space<vmem_shared>>
        %dma_wait3A_57 = arith.constant 0 : i32
        %dma_wait3A_58 = arith.constant 0 : i32
        %dma_wait3A_59 = tpu.memref_slice %arg8[%dma_wait3A_57, %dma_wait3A_58] : memref<112x128xf32, #tpu.memory_space<vmem>> -> memref<16x128xf32, #tpu.memory_space<vmem>>
        tpu.wait_dma2 semaphore(%run_scoped3A : memref<!tpu.dma_semaphore, #tpu.memory_space<semaphore_mem>>) src(%dma_wait3A_59 : memref<16x128xf32, #tpu.memory_space<vmem>>) dst(%dma_wait3A_56 : memref<16x128xf32, #tpu.memory_space<vmem_shared>>)
        tpu.yield
      }) : () -> ()
    } else {
    }
    %dma_start3A = arith.constant 0 : i32
    %dma_start3A_17 = tpu.memref_slice %arg6[%dma_start3A] : memref<10080xi32, #tpu.memory_space<vmem>> -> memref<112xi32, #tpu.memory_space<vmem>>
    %dma_start3A_18 = arith.constant 0 : i32
    %dma_start3A_19 = arith.constant 0 : i32
    %dma_start3A_20 = tpu.memref_slice %arg2[%dma_start3A_18, %dma_start3A_19] : memref<10080x128xf32, #tpu.memory_space<hbm>> -> memref<10080x128xf32, #tpu.memory_space<hbm>>
    tpu.enqueue_indirect_dma source(%dma_start3A_20 : memref<10080x128xf32, #tpu.memory_space<hbm>>) target(%arg8 : memref<112x128xf32, #tpu.memory_space<vmem>>) offsets(%dma_start3A_17 : memref<112xi32, #tpu.memory_space<vmem>>) semaphore(%arg11 : memref<!tpu.dma_semaphore, #tpu.memory_space<semaphore_mem>>)
    %dma_start3A_21 = arith.constant 112 : i32
    %dma_start3A_22 = tpu.memref_slice %arg6[%dma_start3A_21] : memref<10080xi32, #tpu.memory_space<vmem>> -> memref<112xi32, #tpu.memory_space<vmem>>
    %dma_start3A_23 = arith.constant 0 : i32
    %dma_start3A_24 = arith.constant 0 : i32
    %dma_start3A_25 = tpu.memref_slice %arg2[%dma_start3A_23, %dma_start3A_24] : memref<10080x128xf32, #tpu.memory_space<hbm>> -> memref<10080x128xf32, #tpu.memory_space<hbm>>
    tpu.enqueue_indirect_dma source(%dma_start3A_25 : memref<10080x128xf32, #tpu.memory_space<hbm>>) target(%arg9 : memref<112x128xf32, #tpu.memory_space<vmem>>) offsets(%dma_start3A_22 : memref<112xi32, #tpu.memory_space<vmem>>) semaphore(%arg12 : memref<!tpu.dma_semaphore, #tpu.memory_space<semaphore_mem>>)
    %barrier3A = arith.constant 0 : index
    tpu.barrier barrier_id(%barrier3A)
    %scan3A_26 = arith.constant 0 : i32
    %scan3A_27 = arith.constant 45 : i32
    %scan3A_28 = arith.addi %scan3A_26, %scan3A_27 : i32
    %scan3A_29 = arith.constant 1 : i32
    scf.for %scan3A_37 = %scan3A_26 to %scan3A_28 step %scan3A_29  : i32 {
      %mul3A_38 = arith.constant 1 : i32
      %mul3A_39 = arith.muli %scan3A_37, %mul3A_38 : i32
      %add3A_40 = arith.constant 0 : i32
      %add3A_41 = arith.addi %add3A_40, %mul3A_39 : i32
      %mul3A_42 = arith.constant 2 : i32
      %mul3A_43 = arith.muli %mul3A_42, %add3A_41 : i32
      %mul3A_44 = arith.constant 112 : i32
      %mul3A_45 = arith.muli %mul3A_43, %mul3A_44 : i32
      %dma_wait3A = tpu.memref_slice %arg6[%mul3A_45] : memref<10080xi32, #tpu.memory_space<vmem>> -> memref<112xi32, #tpu.memory_space<vmem>>
      %dma_wait3A_46 = arith.constant 0 : i32
      %dma_wait3A_47 = arith.constant 0 : i32
      %dma_wait3A_48 = tpu.memref_slice %arg2[%dma_wait3A_46, %dma_wait3A_47] : memref<10080x128xf32, #tpu.memory_space<hbm>> -> memref<10080x128xf32, #tpu.memory_space<hbm>>
      tpu.wait_indirect_dma semaphore(%arg11 : memref<!tpu.dma_semaphore, #tpu.memory_space<semaphore_mem>>) src(%dma_wait3A_48 : memref<10080x128xf32, #tpu.memory_space<hbm>>) dst(%arg8 : memref<112x128xf32, #tpu.memory_space<vmem>>)
      %dma_start3A_49 = arith.constant 0 : i32
      %dma_start3A_50 = tpu.memref_slice %arg7[%mul3A_43, %dma_start3A_49] : memref<90x112xi32, #tpu.memory_space<vmem>> -> memref<1x112xi32, #tpu.memory_space<vmem>>
      %dma_start3A_51 = tpu.memref_squeeze %dma_start3A_50 : memref<1x112xi32, #tpu.memory_space<vmem>> -> memref<112xi32, #tpu.memory_space<vmem>>
      %dma_start3A_52 = arith.constant 0 : i32
      %dma_start3A_53 = arith.constant 0 : i32
      %dma_start3A_54 = tpu.memref_slice %arg10[%dma_start3A_52, %dma_start3A_53] : memref<10000x128xf32, #tpu.memory_space<vmem_shared>> -> memref<10000x128xf32, #tpu.memory_space<vmem_shared>>
      tpu.enqueue_indirect_dma source(%arg8 : memref<112x128xf32, #tpu.memory_space<vmem>>) target(%dma_start3A_54 : memref<10000x128xf32, #tpu.memory_space<vmem_shared>>) offsets(%dma_start3A_51 : memref<112xi32, #tpu.memory_space<vmem>>) semaphore(%arg13 : memref<!tpu.dma_semaphore, #tpu.memory_space<semaphore_mem>>) {add = true}
      %add3A_55 = arith.constant 1 : i32
      %add3A_56 = arith.addi %mul3A_43, %add3A_55 : i32
      %mul3A_57 = arith.constant 112 : i32
      %mul3A_58 = arith.muli %add3A_56, %mul3A_57 : i32
      %dma_wait3A_59 = tpu.memref_slice %arg6[%mul3A_58] : memref<10080xi32, #tpu.memory_space<vmem>> -> memref<112xi32, #tpu.memory_space<vmem>>
      %dma_wait3A_60 = arith.constant 0 : i32
      %dma_wait3A_61 = arith.constant 0 : i32
      %dma_wait3A_62 = tpu.memref_slice %arg2[%dma_wait3A_60, %dma_wait3A_61] : memref<10080x128xf32, #tpu.memory_space<hbm>> -> memref<10080x128xf32, #tpu.memory_space<hbm>>
      tpu.wait_indirect_dma semaphore(%arg12 : memref<!tpu.dma_semaphore, #tpu.memory_space<semaphore_mem>>) src(%dma_wait3A_62 : memref<10080x128xf32, #tpu.memory_space<hbm>>) dst(%arg9 : memref<112x128xf32, #tpu.memory_space<vmem>>)
      %add3A_63 = arith.constant 1 : i32
      %add3A_64 = arith.addi %mul3A_43, %add3A_63 : i32
      %dma_start3A_65 = arith.constant 0 : i32
      %dma_start3A_66 = tpu.memref_slice %arg7[%add3A_64, %dma_start3A_65] : memref<90x112xi32, #tpu.memory_space<vmem>> -> memref<1x112xi32, #tpu.memory_space<vmem>>
      %dma_start3A_67 = tpu.memref_squeeze %dma_start3A_66 : memref<1x112xi32, #tpu.memory_space<vmem>> -> memref<112xi32, #tpu.memory_space<vmem>>
      %dma_start3A_68 = arith.constant 0 : i32
      %dma_start3A_69 = arith.constant 0 : i32
      %dma_start3A_70 = tpu.memref_slice %arg10[%dma_start3A_68, %dma_start3A_69] : memref<10000x128xf32, #tpu.memory_space<vmem_shared>> -> memref<10000x128xf32, #tpu.memory_space<vmem_shared>>
      tpu.enqueue_indirect_dma source(%arg9 : memref<112x128xf32, #tpu.memory_space<vmem>>) target(%dma_start3A_70 : memref<10000x128xf32, #tpu.memory_space<vmem_shared>>) offsets(%dma_start3A_67 : memref<112xi32, #tpu.memory_space<vmem>>) semaphore(%arg14 : memref<!tpu.dma_semaphore, #tpu.memory_space<semaphore_mem>>) {add = true}
      %dma_wait3A_71 = arith.constant 0 : i32
      %dma_wait3A_72 = tpu.memref_slice %arg7[%mul3A_43, %dma_wait3A_71] : memref<90x112xi32, #tpu.memory_space<vmem>> -> memref<1x112xi32, #tpu.memory_space<vmem>>
      %dma_wait3A_73 = tpu.memref_squeeze %dma_wait3A_72 : memref<1x112xi32, #tpu.memory_space<vmem>> -> memref<112xi32, #tpu.memory_space<vmem>>
      %dma_wait3A_74 = arith.constant 0 : i32
      %dma_wait3A_75 = arith.constant 0 : i32
      %dma_wait3A_76 = tpu.memref_slice %arg10[%dma_wait3A_74, %dma_wait3A_75] : memref<10000x128xf32, #tpu.memory_space<vmem_shared>> -> memref<10000x128xf32, #tpu.memory_space<vmem_shared>>
      tpu.wait_indirect_dma semaphore(%arg13 : memref<!tpu.dma_semaphore, #tpu.memory_space<semaphore_mem>>) src(%arg8 : memref<112x128xf32, #tpu.memory_space<vmem>>) dst(%dma_wait3A_76 : memref<10000x128xf32, #tpu.memory_space<vmem_shared>>)
      %add3A_77 = arith.constant 2 : i32
      %add3A_78 = arith.addi %mul3A_43, %add3A_77 : i32
      %lt3A = arith.constant 90 : i32
      %lt3A_79 = arith.cmpi slt, %add3A_78, %lt3A : i32
      %convert_element_type3A_80 = arith.extui %lt3A_79 : i1 to i32
      %cond3A_81 = arith.constant 0 : i32
      %cond3A_82 = arith.cmpi ne, %convert_element_type3A_80, %cond3A_81 : i32
      scf.if %cond3A_82 {
        %add3A_98 = arith.constant 2 : i32
        %add3A_99 = arith.addi %mul3A_43, %add3A_98 : i32
        %mul3A_100 = arith.constant 112 : i32
        %mul3A_101 = arith.muli %add3A_99, %mul3A_100 : i32
        %dma_start3A_102 = tpu.memref_slice %arg6[%mul3A_101] : memref<10080xi32, #tpu.memory_space<vmem>> -> memref<112xi32, #tpu.memory_space<vmem>>
        %dma_start3A_103 = arith.constant 0 : i32
        %dma_start3A_104 = arith.constant 0 : i32
        %dma_start3A_105 = tpu.memref_slice %arg2[%dma_start3A_103, %dma_start3A_104] : memref<10080x128xf32, #tpu.memory_space<hbm>> -> memref<10080x128xf32, #tpu.memory_space<hbm>>
        tpu.enqueue_indirect_dma source(%dma_start3A_105 : memref<10080x128xf32, #tpu.memory_space<hbm>>) target(%arg8 : memref<112x128xf32, #tpu.memory_space<vmem>>) offsets(%dma_start3A_102 : memref<112xi32, #tpu.memory_space<vmem>>) semaphore(%arg11 : memref<!tpu.dma_semaphore, #tpu.memory_space<semaphore_mem>>)
      } else {
      }
      %add3A_83 = arith.constant 1 : i32
      %add3A_84 = arith.addi %mul3A_43, %add3A_83 : i32
      %dma_wait3A_85 = arith.constant 0 : i32
      %dma_wait3A_86 = tpu.memref_slice %arg7[%add3A_84, %dma_wait3A_85] : memref<90x112xi32, #tpu.memory_space<vmem>> -> memref<1x112xi32, #tpu.memory_space<vmem>>
      %dma_wait3A_87 = tpu.memref_squeeze %dma_wait3A_86 : memref<1x112xi32, #tpu.memory_space<vmem>> -> memref<112xi32, #tpu.memory_space<vmem>>
      %dma_wait3A_88 = arith.constant 0 : i32
      %dma_wait3A_89 = arith.constant 0 : i32
      %dma_wait3A_90 = tpu.memref_slice %arg10[%dma_wait3A_88, %dma_wait3A_89] : memref<10000x128xf32, #tpu.memory_space<vmem_shared>> -> memref<10000x128xf32, #tpu.memory_space<vmem_shared>>
      tpu.wait_indirect_dma semaphore(%arg14 : memref<!tpu.dma_semaphore, #tpu.memory_space<semaphore_mem>>) src(%arg9 : memref<112x128xf32, #tpu.memory_space<vmem>>) dst(%dma_wait3A_90 : memref<10000x128xf32, #tpu.memory_space<vmem_shared>>)
      %add3A_91 = arith.constant 3 : i32
      %add3A_92 = arith.addi %mul3A_43, %add3A_91 : i32
      %lt3A_93 = arith.constant 90 : i32
      %lt3A_94 = arith.cmpi slt, %add3A_92, %lt3A_93 : i32
      %convert_element_type3A_95 = arith.extui %lt3A_94 : i1 to i32
      %cond3A_96 = arith.constant 0 : i32
      %cond3A_97 = arith.cmpi ne, %convert_element_type3A_95, %cond3A_96 : i32
      scf.if %cond3A_97 {
        %add3A_98 = arith.constant 3 : i32
        %add3A_99 = arith.addi %mul3A_43, %add3A_98 : i32
        %mul3A_100 = arith.constant 112 : i32
        %mul3A_101 = arith.muli %add3A_99, %mul3A_100 : i32
        %dma_start3A_102 = tpu.memref_slice %arg6[%mul3A_101] : memref<10080xi32, #tpu.memory_space<vmem>> -> memref<112xi32, #tpu.memory_space<vmem>>
        %dma_start3A_103 = arith.constant 0 : i32
        %dma_start3A_104 = arith.constant 0 : i32
        %dma_start3A_105 = tpu.memref_slice %arg2[%dma_start3A_103, %dma_start3A_104] : memref<10080x128xf32, #tpu.memory_space<hbm>> -> memref<10080x128xf32, #tpu.memory_space<hbm>>
        tpu.enqueue_indirect_dma source(%dma_start3A_105 : memref<10080x128xf32, #tpu.memory_space<hbm>>) target(%arg9 : memref<112x128xf32, #tpu.memory_space<vmem>>) offsets(%dma_start3A_102 : memref<112xi32, #tpu.memory_space<vmem>>) semaphore(%arg12 : memref<!tpu.dma_semaphore, #tpu.memory_space<semaphore_mem>>)
      } else {
      }
    }
    %scan3A_30 = arith.constant 45 : i32
    %barrier3A_31 = arith.constant 0 : index
    tpu.barrier barrier_id(%barrier3A_31)
    "tpu.region"() ({
      %run_scoped3A = tpu.sem_alloc : memref<!tpu.dma_semaphore, #tpu.memory_space<semaphore_mem>>
      %dma_start3A_37 = arith.constant 0 : i32
      %dma_start3A_38 = tpu.memref_slice %arg5[%arg0, %mul3A_6, %dma_start3A_37] : memref<2x10000x128xf32, #tpu.memory_space<hbm>> -> memref<1x624x128xf32, #tpu.memory_space<hbm>>
      %dma_start3A_39 = tpu.memref_squeeze %dma_start3A_38 : memref<1x624x128xf32, #tpu.memory_space<hbm>> -> memref<624x128xf32, #tpu.memory_space<hbm>>
      %dma_start3A_40 = arith.constant 0 : i32
      %dma_start3A_41 = tpu.memref_slice %arg10[%mul3A_6, %dma_start3A_40] : memref<10000x128xf32, #tpu.memory_space<vmem_shared>> -> memref<624x128xf32, #tpu.memory_space<vmem_shared>>
      tpu.enqueue_dma source(%dma_start3A_41 : memref<624x128xf32, #tpu.memory_space<vmem_shared>>) target(%dma_start3A_39 : memref<624x128xf32, #tpu.memory_space<hbm>>) target_semaphore(%run_scoped3A : memref<!tpu.dma_semaphore, #tpu.memory_space<semaphore_mem>>)
      %dma_wait3A = arith.constant 0 : i32
      %dma_wait3A_42 = tpu.memref_slice %arg5[%arg0, %mul3A_6, %dma_wait3A] : memref<2x10000x128xf32, #tpu.memory_space<hbm>> -> memref<1x624x128xf32, #tpu.memory_space<hbm>>
      %dma_wait3A_43 = tpu.memref_squeeze %dma_wait3A_42 : memref<1x624x128xf32, #tpu.memory_space<hbm>> -> memref<624x128xf32, #tpu.memory_space<hbm>>
      %dma_wait3A_44 = arith.constant 0 : i32
      %dma_wait3A_45 = tpu.memref_slice %arg10[%mul3A_6, %dma_wait3A_44] : memref<10000x128xf32, #tpu.memory_space<vmem_shared>> -> memref<624x128xf32, #tpu.memory_space<vmem_shared>>
      tpu.wait_dma2 semaphore(%run_scoped3A : memref<!tpu.dma_semaphore, #tpu.memory_space<semaphore_mem>>) src(%dma_wait3A_45 : memref<624x128xf32, #tpu.memory_space<vmem_shared>>) dst(%dma_wait3A_43 : memref<624x128xf32, #tpu.memory_space<hbm>>)
      tpu.yield
    }) : () -> ()
    %eq3A_32 = arith.constant 15 : i32
    %eq3A_33 = arith.cmpi eq, %arg1, %eq3A_32 : i32
    %convert_element_type3A_34 = arith.extui %eq3A_33 : i1 to i32
    %cond3A_35 = arith.constant 0 : i32
    %cond3A_36 = arith.cmpi ne, %convert_element_type3A_34, %cond3A_35 : i32
    scf.if %cond3A_36 {
      "tpu.region"() ({
        %run_scoped3A = tpu.sem_alloc : memref<!tpu.dma_semaphore, #tpu.memory_space<semaphore_mem>>
        %dma_start3A_37 = arith.constant 9984 : i32
        %dma_start3A_38 = arith.constant 0 : i32
        %dma_start3A_39 = tpu.memref_slice %arg5[%arg0, %dma_start3A_37, %dma_start3A_38] : memref<2x10000x128xf32, #tpu.memory_space<hbm>> -> memref<1x16x128xf32, #tpu.memory_space<hbm>>
        %dma_start3A_40 = tpu.memref_squeeze %dma_start3A_39 : memref<1x16x128xf32, #tpu.memory_space<hbm>> -> memref<16x128xf32, #tpu.memory_space<hbm>>
        %dma_start3A_41 = arith.constant 9984 : i32
        %dma_start3A_42 = arith.constant 0 : i32
        %dma_start3A_43 = tpu.memref_slice %arg10[%dma_start3A_41, %dma_start3A_42] : memref<10000x128xf32, #tpu.memory_space<vmem_shared>> -> memref<16x128xf32, #tpu.memory_space<vmem_shared>>
        tpu.enqueue_dma source(%dma_start3A_43 : memref<16x128xf32, #tpu.memory_space<vmem_shared>>) target(%dma_start3A_40 : memref<16x128xf32, #tpu.memory_space<hbm>>) target_semaphore(%run_scoped3A : memref<!tpu.dma_semaphore, #tpu.memory_space<semaphore_mem>>)
        %dma_wait3A = arith.constant 9984 : i32
        %dma_wait3A_44 = arith.constant 0 : i32
        %dma_wait3A_45 = tpu.memref_slice %arg5[%arg0, %dma_wait3A, %dma_wait3A_44] : memref<2x10000x128xf32, #tpu.memory_space<hbm>> -> memref<1x16x128xf32, #tpu.memory_space<hbm>>
        %dma_wait3A_46 = tpu.memref_squeeze %dma_wait3A_45 : memref<1x16x128xf32, #tpu.memory_space<hbm>> -> memref<16x128xf32, #tpu.memory_space<hbm>>
        %dma_wait3A_47 = arith.constant 9984 : i32
        %dma_wait3A_48 = arith.constant 0 : i32
        %dma_wait3A_49 = tpu.memref_slice %arg10[%dma_wait3A_47, %dma_wait3A_48] : memref<10000x128xf32, #tpu.memory_space<vmem_shared>> -> memref<16x128xf32, #tpu.memory_space<vmem_shared>>
        tpu.wait_dma2 semaphore(%run_scoped3A : memref<!tpu.dma_semaphore, #tpu.memory_space<semaphore_mem>>) src(%dma_wait3A_49 : memref<16x128xf32, #tpu.memory_space<vmem_shared>>) dst(%dma_wait3A_46 : memref<16x128xf32, #tpu.memory_space<hbm>>)
        tpu.yield
      }) : () -> ()
    } else {
    }
    return
  }
}

module attributes {stable_mosaic.version = 14 : i64} {
  func.func @_matmul_body(%arg0: memref<10080x128xf32, #tpu.memory_space<vmem>>, %arg1: memref<128x128xf32, #tpu.memory_space<vmem>>, %arg2: memref<10080x128xf32, #tpu.memory_space<vmem>>) attributes {dimension_semantics = [], scalar_prefetch = 0 : i64, scratch_operands = 0 : i64, tpu.core_type = #tpu.core_type<tc>} {
    %get3A = arith.constant 0 : index
    %get3A_0 = arith.constant 0 : index
    %get3A_1 = vector.load %arg0[%get3A, %get3A_0] : memref<10080x128xf32, #tpu.memory_space<vmem>>, vector<10080x128xf32>
    %convert_element_type3A = arith.truncf %get3A_1 : vector<10080x128xf32> to vector<10080x128xbf16>
    %get3A_2 = arith.constant 0 : index
    %get3A_3 = arith.constant 0 : index
    %get3A_4 = vector.load %arg1[%get3A_2, %get3A_3] : memref<128x128xf32, #tpu.memory_space<vmem>>, vector<128x128xf32>
    %convert_element_type3A_5 = arith.truncf %get3A_4 : vector<128x128xf32> to vector<128x128xbf16>
    %dot_general3A = arith.constant dense<0.000000e+00> : vector<10080x128xf32>
    %dot_general3A_6 = tpu.matmul %convert_element_type3A, %convert_element_type3A_5, %dot_general3A {dimension_numbers = #tpu.dot_dimension_numbers<[1], [1], [0], [0], [0, 0, 1, 0], [], []>, transpose_lhs_hint = false} : vector<10080x128xbf16>, vector<128x128xbf16>, vector<10080x128xf32> -> vector<10080x128xf32>
    %swap3A = arith.constant 0 : index
    %swap3A_7 = arith.constant 0 : index
    %swap3A_8 = vector.load %arg2[%swap3A, %swap3A_7] : memref<10080x128xf32, #tpu.memory_space<vmem>>, vector<10080x128xf32>
    tpu.vector_store %arg2[%swap3A, %swap3A_7], %dot_general3A_6 {strides = array<i32>} : memref<10080x128xf32, #tpu.memory_space<vmem>>, vector<10080x128xf32>,
    return
  }
}

module attributes {stable_mosaic.version = 14 : i64} {
  func.func @_bn_body(%arg0: memref<2x10000x128xf32, #tpu.memory_space<vmem>>, %arg1: memref<128xf32, #tpu.memory_space<vmem>>, %arg2: memref<128xf32, #tpu.memory_space<vmem>>, %arg3: memref<10000x128xf32, #tpu.memory_space<vmem>>) attributes {dimension_semantics = [], scalar_prefetch = 0 : i64, scratch_operands = 0 : i64, tpu.core_type = #tpu.core_type<tc>} {
    %get3A = arith.constant 0 : index
    %get3A_0 = arith.constant 0 : index
    %get3A_1 = arith.constant 0 : index
    %get3A_2 = vector.load %arg0[%get3A, %get3A_0, %get3A_1] : memref<2x10000x128xf32, #tpu.memory_space<vmem>>, vector<1x10000x128xf32>
    %get3A_3 = vector.shape_cast %get3A_2 : vector<1x10000x128xf32> to vector<10000x128xf32>
    %get3A_4 = arith.constant 1 : index
    %get3A_5 = arith.constant 0 : index
    %get3A_6 = arith.constant 0 : index
    %get3A_7 = vector.load %arg0[%get3A_4, %get3A_5, %get3A_6] : memref<2x10000x128xf32, #tpu.memory_space<vmem>>, vector<1x10000x128xf32>
    %get3A_8 = vector.shape_cast %get3A_7 : vector<1x10000x128xf32> to vector<10000x128xf32>
    %add3A = arith.addf %get3A_3, %get3A_8 : vector<10000x128xf32>
    %reduce_sum3A = arith.constant dense<0.000000e+00> : vector<128xf32>
    %reduce_sum3A_9 = vector.multi_reduction <add>, %add3A, %reduce_sum3A [0] : vector<10000x128xf32> to vector<128xf32>
    %broadcast_in_dim3A = vector.shape_cast %reduce_sum3A_9 : vector<128xf32> to vector<1x128xf32>
    %div3A = arith.constant 1.000000e+04 : f32
    %div3A_10 = vector.broadcast %div3A : f32 to vector<1x128xf32>
    %div3A_11 = arith.divf %broadcast_in_dim3A, %div3A_10 : vector<1x128xf32>
    %sub3A = vector.broadcast %div3A_11 : vector<1x128xf32> to vector<10000x128xf32>
    %sub3A_12 = arith.subf %add3A, %sub3A : vector<10000x128xf32>
    %mul3A = arith.mulf %sub3A_12, %sub3A_12 : vector<10000x128xf32>
    %reduce_sum3A_13 = arith.constant dense<0.000000e+00> : vector<128xf32>
    %reduce_sum3A_14 = vector.multi_reduction <add>, %mul3A, %reduce_sum3A_13 [0] : vector<10000x128xf32> to vector<128xf32>
    %broadcast_in_dim3A_15 = vector.shape_cast %reduce_sum3A_14 : vector<128xf32> to vector<1x128xf32>
    %div3A_16 = arith.constant 1.000000e+04 : f32
    %div3A_17 = vector.broadcast %div3A_16 : f32 to vector<1x128xf32>
    %div3A_18 = arith.divf %broadcast_in_dim3A_15, %div3A_17 : vector<1x128xf32>
    %add3A_19 = arith.constant 9.99999974E-6 : f32
    %add3A_20 = vector.broadcast %add3A_19 : f32 to vector<1x128xf32>
    %add3A_21 = arith.addf %div3A_18, %add3A_20 : vector<1x128xf32>
    %rsqrt3A = math.rsqrt %add3A_21 : vector<1x128xf32>
    %mul3A_22 = vector.broadcast %rsqrt3A : vector<1x128xf32> to vector<10000x128xf32>
    %mul3A_23 = arith.mulf %sub3A_12, %mul3A_22 : vector<10000x128xf32>
    %get3A_24 = arith.constant 0 : index
    %get3A_25 = vector.load %arg1[%get3A_24] : memref<128xf32, #tpu.memory_space<vmem>>, vector<128xf32>
    %broadcast_in_dim3A_26 = vector.shape_cast %get3A_25 : vector<128xf32> to vector<1x128xf32>
    %mul3A_27 = vector.broadcast %broadcast_in_dim3A_26 : vector<1x128xf32> to vector<10000x128xf32>
    %mul3A_28 = arith.mulf %mul3A_23, %mul3A_27 : vector<10000x128xf32>
    %get3A_29 = arith.constant 0 : index
    %get3A_30 = vector.load %arg2[%get3A_29] : memref<128xf32, #tpu.memory_space<vmem>>, vector<128xf32>
    %broadcast_in_dim3A_31 = vector.shape_cast %get3A_30 : vector<128xf32> to vector<1x128xf32>
    %add3A_32 = vector.broadcast %broadcast_in_dim3A_31 : vector<1x128xf32> to vector<10000x128xf32>
    %add3A_33 = arith.addf %mul3A_28, %add3A_32 : vector<10000x128xf32>
    %gt3A = arith.constant 0.000000e+00 : f32
    %gt3A_34 = vector.broadcast %gt3A : f32 to vector<10000x128xf32>
    %gt3A_35 = arith.cmpf ogt, %add3A_33, %gt3A_34 : vector<10000x128xf32>
    %min3A = arith.constant 0.000000e+00 : f32
    %min3A_36 = vector.broadcast %min3A : f32 to vector<10000x128xf32>
    %min3A_37 = arith.minimumf %add3A_33, %min3A_36 : vector<10000x128xf32>
    %exp3A = math.exp %min3A_37 : vector<10000x128xf32>
    %sub3A_38 = arith.constant 1.000000e+00 : f32
    %sub3A_39 = vector.broadcast %sub3A_38 : f32 to vector<10000x128xf32>
    %sub3A_40 = arith.subf %exp3A, %sub3A_39 : vector<10000x128xf32>
    %select_n3A = arith.select %gt3A_35, %add3A_33, %sub3A_40 : vector<10000x128xi1>, vector<10000x128xf32>
    %swap3A = arith.constant 0 : index
    %swap3A_41 = arith.constant 0 : index
    %swap3A_42 = vector.load %arg3[%swap3A, %swap3A_41] : memref<10000x128xf32, #tpu.memory_space<vmem>>, vector<10000x128xf32>
    tpu.vector_store %arg3[%swap3A, %swap3A_41], %select_n3A {strides = array<i32>} : memref<10000x128xf32, #tpu.memory_space<vmem>>, vector<10000x128xf32>,
    return
  }
}

</mosaic_0001>

<sc_bundles>
// kernel: kernel.5.cloned.1.call-start
scs
__scs_entry_jumppad:
0x0: {  	(pc) =	sbr.rel $0x88, $3  }
0x1: {  	(tag) =	ssettag $0x0;
	lr =	simm.s32 $0x1  }
0x2: {  	[smem:$0x3F9C] =	sst lr;
	_ =	strace $0xD0000000  }
0x3: {  	_ = 	snop  }
0x4: {  	_ = 	snop  }
0x5: {  	_ = 	snop  }
0x6: {  	_ = 	snop  }
0x7: {  	_ = 	snop  }
__scs_overlays_trampoline_lowered:
0x8: {  	[smem:$0x3FAB] =	sst s0  }
0x9: {  	[smem:$0x3FAC] =	sst s1  }
0xa: {  	[smem:$0x3FAD] =	sst s2  }
0xb: {  	[smem:$0x3FAE] =	sst s3  }
0xc: {  	[smem:$0x3FAF] =	sst s4  }
0xd: {  	[smem:$0x3FB0] =	sst s5  }
0xe: {  	[smem:$0x3FB1] =	sst s6  }
0xf: {  	[smem:$0x3FB2] =	sst s7  }
0x10: {  	[smem:$0x3FB3] =	sst s8  }
0x11: {  	[smem:$0x3FB4] =	sst s9;
	s0 =	simm.s32 @!p0 $0x0  }
0x12: {  	s1 =	sld [smem:$0x3F9A];
	s0 =	simm.s32 @p0 $0x1  }
0x13: {  	[smem:$0x3FB5] =	sst s0;
	s0 =	simm.s32 @!p1 $0x0  }
0x14: {  	s2 =	sld [smem:$0x3F99];
	s0 =	simm.s32 @p1 $0x1  }
0x15: {  	[smem:$0x3FB6] =	sst s0;
	s0 =	simm.s32 @!p2 $0x0  }
0x16: {  	s3 =	sld [smem:$0x3FDB];
	s0 =	simm.s32 @p2 $0x1  }
0x17: {  	s4 =	simm.s32 $0x1BF5;
	[smem:$0x3FB8] =	sst s0  }
0x18: {  	s0 =	sld [smem:$0x3F9B];
	_ =	swait.ge [sflag:s4], $0x0  }
0x19: {  	s7 =	sld [smem:$0x3F9C]  }
0x1a: {  	s8 =	sadd.s32 $0xFFFFE003, lr  }
0x1b: {  	s9 =	sadd.s32 $0xFFFFFEF7, lr;
	s5 =	simm.s32 $0xFFFFFFFF;
	p2 =	slt.u32 s8, $0xFFFFF086  }
0x1c: {  	p1 =	slt.u32 s9, $0xF7A;
	s5 =	simm.s32 @!p2 $0x0  }
0x1d: {  	s5 =	simm.s32 @p1 $0x1;
	p0 =	seq.s32 s7, s2  }
0x1e: {  	s7 =	smul.u32 @!p0 $0xF7A, s2;
	p2 =	seq.s32 @!p0 s5, $0x0  }
0x1f: {  	s9 =	smul.u32 $0xF7A, s1;
	s8 =	simm.s32 @!p0 $0x1BF5;
	p2 =	por !p2, p0  }
0x20: {  	[sflag:s8] =	ssyncset.s32 @!p0 $0xFFFFF086;
	s6 =	sadd.s32 @!p0 s3, s7;
	s7 =	simm.s32 @!p0 $0x108  }
0x21: {  	s3 =	sadd.s32 s3, s9;
	s6 =	sadd.s32 @!p0 $0x88, s6;
	s7 =	simm.s32 @p2 $0x1082  }
0x22: {  	[simem:s7], [sflag:s8] =	dma.local @!p0 [hbm:s6], $0xF7A  }
0x23: {  	s9 =	sor.u32 $0xD0000000, s2;
	s6 =	simm.s32 $0x108;
	_ =	swait.ge @!p0 [sflag:s8], $0x0  }
0x24: {  	s3 =	sadd.s32 $0x88, s3;
	s6 =	simm.s32 @!p1 $0x1082;
	[sflag:s4] =	ssyncset.s32 $0xFFFFF086  }
0x25: {  	[simem:s6], [sflag:s4] =	dma.local [hbm:s3], $0xF7A  }
0x26: {  	[smem:$0x3F9C] =	sst s1;
	(tag) =	ssettag s2;
	_ =	strace s9  }
0x27: {  	s1 =	sld [smem:$0x3FAC]  }
0x28: {  	s2 =	sld [smem:$0x3FAD]  }
0x29: {  	s4 =	sld [smem:$0x3FAF]  }
0x2a: {  	p0 =	seq.s32 s5, $0x0;
	s5 =	sld [smem:$0x3FB0]  }
0x2b: {  	s6 =	sld [smem:$0x3FB1]  }
0x2c: {  	s7 =	sld [smem:$0x3FB2]  }
0x2d: {  	s3 =	simm.s32 $0x108;
	s8 =	sld [smem:$0x3FB3]  }
0x2e: {  	s3 =	simm.s32 @!p0 $0x1082;
	s9 =	sld [smem:$0x3FB4]  }
0x2f: {  	lr =	sadd.s32 s0, s3;
	s0 =	sld [smem:$0x3FAB]  }
0x30: {  	s3 =	sld [smem:$0x3FAE]  }
0x31: {  	[smem:$0x3FB7] =	sst s10  }
0x32: {  	s10 =	sld [smem:$0x3FB5];
	_ =	sdelay $0x3  }
0x33: {  	p0 =	seq.s32 s10, $0x1;
	s10 =	sld [smem:$0x3FB7];
	_ =	sdelay $0x3  }
0x34: {  	[smem:$0x3FB7] =	sst s10  }
0x35: {  	s10 =	sld [smem:$0x3FB6];
	_ =	sdelay $0x3  }
0x36: {  	p1 =	seq.s32 s10, $0x1;
	s10 =	sld [smem:$0x3FB7];
	_ =	sdelay $0x3  }
0x37: {  	[smem:$0x3FB7] =	sst s10  }
0x38: {  	s10 =	sld [smem:$0x3FB8]  }
0x39: {  	_ = 	snop;
	(pc) =	sbr.ind lr, $3  }
0x3a: {  	_ = 	snop  }
0x3b: {  	_ = 	snop  }
0x3c: {  	p2 =	seq.s32 s10, $0x1;
	s10 =	sld [smem:$0x3FB7]  }
0x3d: {  	_ =	shalt  }
0x3e: {  	_ =	shalt  }
0x3f: {  	_ =	shalt  }
0x40: {  	_ =	shalt  }
0x41: {  	_ =	shalt  }
0x42: {  	_ =	shalt  }
0x43: {  	_ =	shalt  }
0x44: {  	_ =	shalt  }
0x45: {  	_ =	shalt  }
0x46: {  	_ =	shalt  }
0x47: {  	_ =	shalt  }
0x48: {  	_ =	shalt  }
0x49: {  	_ =	shalt  }
0x4a: {  	_ =	shalt  }
0x4b: {  	_ =	shalt  }
0x4c: {  	_ =	shalt  }
0x4d: {  	_ =	shalt  }
0x4e: {  	_ =	shalt  }
0x4f: {  	_ =	shalt  }
0x50: {  	_ =	shalt  }
0x51: {  	_ =	shalt  }
0x52: {  	_ =	shalt  }
0x53: {  	_ =	shalt  }
0x54: {  	_ =	shalt  }
0x55: {  	_ =	shalt  }
0x56: {  	_ =	shalt  }
0x57: {  	_ =	shalt  }
0x58: {  	_ =	shalt  }
0x59: {  	_ =	shalt  }
0x5a: {  	_ =	shalt  }
0x5b: {  	_ =	shalt  }
0x5c: {  	_ =	shalt  }
0x5d: {  	_ =	shalt  }
0x5e: {  	_ =	shalt  }
0x5f: {  	_ =	shalt  }
0x60: {  	_ =	shalt  }
0x61: {  	_ =	shalt  }
0x62: {  	_ =	shalt  }
0x63: {  	_ =	shalt  }
0x64: {  	_ =	shalt  }
0x65: {  	_ =	shalt  }
0x66: {  	_ =	shalt  }
0x67: {  	_ =	shalt  }
0x68: {  	_ =	shalt  }
0x69: {  	_ =	shalt  }
0x6a: {  	_ =	shalt  }
0x6b: {  	_ =	shalt  }
0x6c: {  	_ =	shalt  }
0x6d: {  	_ =	shalt  }
0x6e: {  	_ =	shalt  }
0x6f: {  	_ =	shalt  }
0x70: {  	_ =	shalt  }
0x71: {  	_ =	shalt  }
0x72: {  	_ =	shalt  }
0x73: {  	_ =	shalt  }
0x74: {  	_ =	shalt  }
0x75: {  	_ =	shalt  }
0x76: {  	_ =	shalt  }
0x77: {  	_ =	shalt  }
0x78: {  	_ =	shalt  }
0x79: {  	_ =	shalt  }
0x7a: {  	_ =	shalt  }
0x7b: {  	_ =	shalt  }
0x7c: {  	_ =	shalt  }
0x7d: {  	_ =	shalt  }
0x7e: {  	_ =	shalt  }
0x7f: {  	_ =	shalt  }
0x80: {  	_ =	shalt  }
0x81: {  	_ =	shalt  }
0x82: {  	_ =	shalt  }
0x83: {  	_ =	shalt  }
0x84: {  	_ =	shalt  }
0x85: {  	_ =	shalt  }
0x86: {  	_ =	shalt  }
0x87: {  	_ =	shalt  }
.Lfunc_end0:
.L_simem_size_0:
called_computation_lowered:
.L_overlay_start_0:
0x88: {  	s2 =	sld [smem:$0x3FD9]  }
0x89: {  	s3 =	sld [smem:$0x3FFE];
	_ =	sdelay $0x1  }
0x8a: {  	s1 =	srdreg.scid  }
0x8b: {  	s0 =	sand.u32 $0x1, s1  }
0x8c: {  	s17 =	sshll.u32 s0, $0xA;
	s2 =	sadd.s32 s3, s2  }
0x8d: {  	s2 =	sadd.s32 s2, s17  }
0x8e: {  	[smem:$0x3FC3] =	sst s2  }
0x8f: {  	_ = 	snop  }
0x90: {  	s2 =	sld [smem:$0x3FD0];
	(tm) =	ssettm $0x1  }
0x91: {  	s18 =	sld [smem:$0x3FFB];
	_ =	sdelay $0x3  }
0x92: {  	_ =	strace s18  }
0x93: {  	s3 =	sld [smem:$0x3FFC];
	_ =	sdelay $0x3  }
0x94: {  	_ =	strace s3  }
0x95: {  	s3 =	sld [smem:$0x3FFD];
	_ =	sdelay $0x3  }
0x96: {  	_ =	strace s3  }
0x97: {  	_ =	strace $0x8FFFFFFF  }
0x98: {  	s19 =	sld [smem:$0x3FDB];
	_ =	sdelay $0x1  }
0x99: {  	s4 =	simm.s32 $_scs_section_size  }
0x9a: {  	s5 =	simm.s32 $_size__tile_overlayer_lowered;
	s6 =	simm.s32 $_tile_overlayer_lowered  }
0x9b: {  	s22 =	simm.s32 $0x1BFF;
	s21 =	sshll.u32 s6, $0x1;
	s3 =	sadd.s32 s4, s19  }
0x9c: {  	s7 =	simm.s32 $0x0;
	s20 =	sshll.u32 s5, $0x1;
	s5 =	sadd.s32 s21, s3  }
0x9d: {  	[timem:s7], [sflag:s22] =	dma.local [hbm:s5], s20  }
0x9e: {  	_ =	swait.ge [sflag:s22], s20  }
0x9f: {  	s4 =	ssub.s32 $0x0, s20;
	[sflag:s22] =	ssyncset.done $0x0  }
0xa0: {  	[sflag:s22] =	ssyncadd.s32 s4;
	_ =	sdelay $0x1  }
0xa1: {  	s23 =	simm.s32 $0x1B8B  }
0xa2: {  	_ =	swait.ge [sflag:s23], $0x1  }
0xa3: {  	[sflag:s23] =	ssyncset.done $0x0  }
0xa4: {  	s25 =	simm.s32 $0x1B8E;
	s24 =	sld [smem:$0x3FFE];
	[sflag:s23] =	ssyncadd.s32 $0xFFFFFFFF  }
0xa5: {  	s26 =	simm.s32 $execute0_lowered;
	[smem:$0x3FD2] =	sst s25  }
0xa6: {  	s5 =	sshll.u32 s26, $0x1;
	_ =	strace $0x80000046;
	[dreg:$0x1] =	wrdreg $0xFFFFFFFF  }
0xa7: {  	s28 =	simm.s32 $_size_execute0_lowered;
	s3 =	sadd.s32 s3, s5;
	[dreg:$0x0] =	wrdreg $0x0  }
0xa8: {  	s5 =	sshll.u32 s28, $0x1;
	[dreg:$0x2] =	wrdreg s3  }
0xa9: {  	[dreg:$0x3] =	wrdreg s5  }
0xaa: {  	[dreg:$0x4] =	wrdreg $0xC0  }
0xab: {  	_ =	task [dreg:s7], $0x5FFFF  }
0xac: {  	[dreg:$0x1] =	wrdreg $0xFFFFFFFF  }
0xad: {  	[dreg:$0x0] =	wrdreg $0x60  }
0xae: {  	[dreg:$0x2] =	wrdreg s24  }
0xaf: {  	[dreg:$0x3] =	wrdreg s2  }
0xb0: {  	[dreg:$0x4] =	wrdreg $0xC7800  }
0xb1: {  	[dreg:$0x5] =	wrdreg $0x9  }
0xb2: {  	_ =	task.clear_ibuf [dreg:s7], $0x6FFFF;
	_ =	strace $0x90000046  }
0xb3: {  	s29 =	simm.s32 $0x9;
	_ =	strace $0x80000048  }
0xb4: {  	_ =	swait.ge [sflag:s29], $0x1  }
0xb5: {  	[sflag:s29] =	ssyncadd.s32 $0xFFFFFFFF  }
0xb6: {  	_ =	strace $0x90000048  }
0xb7: {  	_ =	sfence  }
0xb8: {  	s30 =	sld [smem:$0x0];
	_ =	sdelay $0x2  }
0xb9: {  	s31 =	sshll.u32 s1, $0xD;
	s1 =	sshrl.u32 s1, $0x2  }
0xba: {  	s3 =	sand.u32 $0x4000, s31;
	s1 =	sadd.s32 s1, s30  }
0xbb: {  	s0 =	sor.u32 s3, s0;
	s1 =	sshll.u32 s1, $0x11  }
0xbc: {  	s0 =	sor.u32 s1, s0  }
0xbd: {  	s0 =	sadd.s32 $0x8F2B, s0  }
0xbe: {  	[sflag:s0] =	ssyncadd.remote.s32 $0x1  }
0xbf: {  	_ =	sfence.sel $0xFFFF  }
0xc0: {  	[dreg:$0x0] =	wrdreg $0xFFFFFFFF;
	(pc) =	sbr.abs _section_cstart, $3  }
0xc1: {  	[dreg:$0x1] =	wrdreg $0xFFFFFFFF  }
0xc2: {  	_ =	task.clear_ibuf [dreg:s7], $0x2FFFF;
	_ =	strace $0x9FFFFFFF  }
0xc3: {  	(tm) =	ssettm $0x7FFFFFFF  }
tec
execute0_lowered:
.L_overlay_start_1:
0x0: {  	(tag) =	ssettag $0x1  }
0x1: {  	s1 =	rddreg [dreg:$0x0]  }
0x2: {  	s0 =	srdreg.scid;
	s6 =	rddreg [dreg:$0x1]  }
0x3: {  	s17 =	stileid.u32;
	s2 =	rddreg [dreg:$0x2]  }
0x4: {  	s19 =	simm.s32 $0x5;
	s21 =	simm.s32 $0x5780;
	s22 =	simm.s32 $0x70  }
0x5: {  	s23 =	simm.s32 $0x8F80;
	s28 =	simm.s32 $0x4;
	s29 =	simm.s32 $0x5380  }
0x6: {  	s30 =	simm.s32 $0x5400;
	s31 =	simm.s32 $0x0;
	s8 =	smul.u32 $0x4E000, s17  }
0x7: {  	s0 =	sand.u32 $0x1, s0;
	s7 =	sshll.u32 s17, $0x7;
	s11 =	smul.u32 $0x13800, s17  }
0x8: {  	p0 =	sne.s32 s17, $0xF;
	s3 =	sshll.u32 s0, $0x4;
	s7 =	sand.u32 $0x380, s7  }
0x9: {  	s9 =	ssub.s32 $0x2, s0;
	s0 =	smul.u32 $0x138800, s0;
	s4 =	sor.u32 s17, s3  }
0xa: {  	s3 =	simm.s32 $0x0;
	s10 =	sshrl.u32 s9, $0x1;
	s8 =	sshrl.u32 s8, $0x2  }
0xb: {  	s5 =	sshrl.u32 s4, $0x3;
	[smem:$0x7FF] =	sst s3;
	s24 =	smul.u32 $0x600, s4  }
0xc: {  	s4 =	sadd.s32 $0xAC00, s1;
	s12 =	ssub.s32 s9, s10;
	s25 =	sadd.s32 s11, s0  }
0xd: {  	s0 =	sshrl.u32 s0, $0x3;
	s9 =	sadd.s32 $0x138000, s2;
	s5 =	smul.u32 $0x13C00, s5  }
0xe: {  	_ =	strace $0x80000047;
	s26 =	sshrl.u32 s25, $0x3;
	s12 =	smax.u32 s12, $0x1  }
0xf: {  	s25 =	simm.s32 $0x2;
	s6 =	sadd.s32 s6, s24;
	s5 =	sor.u32 s7, s5  }
0x10: {  	s24 =	simm.s32 $0x1;
	s7 =	sadd.s32 s8, s2;
	s5 =	sshrl.u32 s5, $0x3  }
0x11: {  	s8 =	sadd.s32 $0x11800, s7;
	s13 =	sadd.s32 $0x3800, s7;
	s14 =	sadd.s32 $0x7000, s7  }
0x12: {  	s15 =	sadd.s32 $0xA800, s7;
	s5 =	sadd.s32 s5, s1;
	s1 =	sadd.s32 $0x32200, s1  }
0x13: {  	s16 =	sadd.s32 $0xE000, s7;
	s5 =	sadd.s32 $0xE00, s5;
	s0 =	sadd.s32 s1, s0  }
0x14: {  	v0 =	vimm.f32 $0.0e+00;
	s10 =	sadd.s32 s1, s26;
	s26 =	simm.s32 $0x3;
	s11 =	sadd.s32 $0x27000, s0  }
.LBB2_1:
0x15: {  	s0 =	simm.s32 $0x80;
	s1 =	simm.s32 $0x400  }
0x16: {  	[tilespmem:s3], [sflag:$0x5] =	stream.strided.gather [hbm4b:s5+s0], $0x2780, s1, s0, $0x38;
	v63 =	vld [tilespmem:$0x0]  }
0x17: {  	_ =	swait.ge [sflag:s19], $0x2780  }
0x18: {  	[sflag:s19] =	ssyncset.done $0x0  }
0x19: {  	s20 =	simm.s32 $0x2780;
	[sflag:s19] =	ssyncadd.s32 $0xFFFFD880  }
0x1a: {  	[tilespmem:s20], [sflag:$0x5] =	stream.linear.gather [hbm4b:s6+s3], $0x2D00, $0x38;
	v63 =	vld [tilespmem:$0x0]  }
0x1b: {  	_ =	swait.ge [sflag:s19], $0x2D00  }
0x1c: {  	[sflag:s19] =	ssyncset.done $0x0  }
0x1d: {  	s0 =	simm.s32 $0x70;
	s1 =	simm.s32 $0x3C0;
	[sflag:s19] =	ssyncadd.s32 $0xFFFFD300  }
.LBB2_2:
0x1e: {  	p1 =	sne.s32 s1, $0xDFC0;
	[tilespmem:s0+$0x5780] =	vst v0  }
0x1f: {  	[tilespmem:s0+$0x5710] =	vst v0  }
0x20: {  	[tilespmem:s0+$0x5720] =	vst v0  }
.Ltmp0:
0x21: {  	[tilespmem:s0+$0x5730] =	vst v0;
	(pc) =	sbr.rel @p1 .LBB2_2-.Ltmp0, $4  }
0x22: {  	[tilespmem:s0+$0x5740] =	vst v0  }
0x23: {  	[tilespmem:s0+$0x5750] =	vst v0  }
0x24: {  	[tilespmem:s0+$0x5760] =	vst v0  }
0x25: {  	[tilespmem:s0+$0x5770] =	vst v0;
	s0 =	sshra.s32 s1, $0x2;
	s1 =	sadd.s32 $0x200, s1  }
0x26: {  	[tilespmem:s0+$0x5780] =	vst v0  }
0x27: {  	[tilespmem:s0+$0x5710] =	vst v0  }
0x28: {  	[tilespmem:s0+$0x5720] =	vst v0  }
0x29: {  	[tilespmem:s0+$0x5730] =	vst v0  }
0x2a: {  	[tilespmem:s0+$0x5740] =	vst v0  }
0x2b: {  	[tilespmem:s0+$0x5750] =	vst v0  }
0x2c: {  	[tilespmem:s0+$0x5760] =	vst v0  }
0x2d: {  	[tilespmem:s0+$0x5770] =	vst v0  }
0x2e: {  	[spmem:s7] =	stream.linear.scatter [tilespmem:s21], [sflag:$0x5], $0x3800, $0x38;
	v63 =	vld [tilespmem:$0x0]  }
0x2f: {  	_ =	swait.ge [sflag:s19], $0x3800  }
0x30: {  	[sflag:s19] =	ssyncset.done $0x0  }
0x31: {  	[sflag:s19] =	ssyncadd.s32 $0xFFFFC800  }
0x32: {  	[spmem:s13] =	stream.linear.scatter [tilespmem:s21], [sflag:$0x5], $0x3800, $0x38;
	v63 =	vld [tilespmem:$0x0]  }
0x33: {  	_ =	swait.ge [sflag:s19], $0x3800  }
0x34: {  	[sflag:s19] =	ssyncset.done $0x0  }
0x35: {  	[sflag:s19] =	ssyncadd.s32 $0xFFFFC800  }
0x36: {  	[spmem:s14] =	stream.linear.scatter [tilespmem:s21], [sflag:$0x5], $0x3800, $0x38;
	v63 =	vld [tilespmem:$0x0]  }
0x37: {  	_ =	swait.ge [sflag:s19], $0x3800  }
0x38: {  	[sflag:s19] =	ssyncset.done $0x0  }
0x39: {  	[sflag:s19] =	ssyncadd.s32 $0xFFFFC800  }
0x3a: {  	[spmem:s15] =	stream.linear.scatter [tilespmem:s21], [sflag:$0x5], $0x3800, $0x38;
	v63 =	vld [tilespmem:$0x0]  }
0x3b: {  	_ =	swait.ge [sflag:s19], $0x3800  }
0x3c: {  	[sflag:s19] =	ssyncset.done $0x0  }
0x3d: {  	[sflag:s19] =	ssyncadd.s32 $0xFFFFC800  }
0x3e: {  	[spmem:s16] =	stream.linear.scatter [tilespmem:s21], [sflag:$0x5], $0x3800, $0x38;
	v63 =	vld [tilespmem:$0x0]  }
0x3f: {  	_ =	swait.ge [sflag:s19], $0x3800  }
0x40: {  	[sflag:s19] =	ssyncset.done $0x0  }
0x41: {  	[sflag:s19] =	ssyncadd.s32 $0xFFFFC800  }
0x42: {  	[spmem:s8] =	stream.linear.scatter [tilespmem:s21], [sflag:$0x5], $0x2000, $0x38;
	v63 =	vld [tilespmem:$0x0]  }
0x43: {  	_ =	swait.ge [sflag:s19], $0x2000  }
0x44: {  	[sflag:s19] =	ssyncset.done $0x0  }
0x45: {  	s0 =	simm.s32 @!p0 $0x5780;
	[sflag:s19] =	ssyncadd.s32 $0xFFFFE000  }
0x46: {  	[spmem:s9] =	stream.linear.scatter @!p0 [tilespmem:s0], [sflag:$0x5], $0x800, $0x38;
	v63 =	vld [tilespmem:$0x0]  }
0x47: {  	s0 =	simm.s32 @!p0 $0x5  }
0x48: {  	_ =	swait.ge @!p0 [sflag:s0], $0x800  }
0x49: {  	[sflag:s0] =	ssyncset.done @!p0 $0x0  }
0x4a: {  	s1 =	simm.s32 $0x0;
	[sflag:s0] =	ssyncadd.s32 @!p0 $0xFFFFF800  }
0x4b: {  	[tilespmem:s21], [sflag:$0x1] =	stream.indirect.gather [hbm4b:s4+s22], $0x80, s1, s22, $0xb8;
	v63 =	vld [tilespmem:$0x0]  }
0x4c: {  	_ = 	snop  }
0x4d: {  	[tilespmem:s23], [sflag:$0x2] =	stream.indirect.gather [hbm4b:s4+s22], $0x80, s22, s22, $0xb8;
	v63 =	vld [tilespmem:$0x0]  }
0x4e: {  	[bflag:$0x0] =	sbarrier.arrive $0xFFFF  }
0x4f: {  	_ =	swait.ge [sflag:s24], $0x3800  }
0x50: {  	[sflag:s24] =	ssyncset.done $0x0  }
0x51: {  	s17 =	simm.s32 $0x2780;
	[sflag:s24] =	ssyncadd.s32 $0xFFFFC800  }
0x52: {  	[spmem:s2] =	stream.indirect.scatter.add.f32 [tilespmem:s21], [sflag:$0x3], $0x80, s17, s22, $0xb8;
	v63 =	vld [tilespmem:$0x0]  }
0x53: {  	_ =	swait.ge [sflag:s25], $0x3800  }
0x54: {  	[sflag:s25] =	ssyncset.done $0x0  }
0x55: {  	s18 =	simm.s32 $0x2800;
	[sflag:s25] =	ssyncadd.s32 $0xFFFFC800  }
0x56: {  	[spmem:s2] =	stream.indirect.scatter.add.f32 [tilespmem:s23], [sflag:$0x4], $0x80, s18, s22, $0xb8;
	v63 =	vld [tilespmem:$0x0]  }
0x57: {  	_ =	swait.ge [sflag:s26], $0x3800  }
0x58: {  	[sflag:s26] =	ssyncset.done $0x0  }
0x59: {  	s20 =	simm.s32 $0xE0;
	[sflag:s26] =	ssyncadd.s32 $0xFFFFC800  }
0x5a: {  	[tilespmem:s21], [sflag:$0x1] =	stream.indirect.gather [hbm4b:s4+s22], $0x80, s20, s22, $0xb8;
	v63 =	vld [tilespmem:$0x0]  }
0x5b: {  	_ =	swait.ge [sflag:s28], $0x3800  }
0x5c: {  	s0 =	simm.s32 $0x400;
	[sflag:s28] =	ssyncset.done $0x0  }
0x5d: {  	s1 =	simm.s32 $0x150;
	s17 =	simm.s32 $0x230;
	[sflag:s28] =	ssyncadd.s32 $0xFFFFC800  }
.LBB2_4:
0x5e: {  	[tilespmem:s23], [sflag:$0x2] =	stream.indirect.gather [hbm4b:s4+s22], $0x80, s1, s22, $0xb8;
	v63 =	vld [tilespmem:$0x0]  }
0x5f: {  	s18 =	smov.u32 s0;
	s1 =	smov.u32 s17  }
0x60: {  	p1 =	sne.s32 s0, $0xAC00;
	s0 =	sadd.s32 $0x400, s0;
	_ =	swait.ge [sflag:s24], $0x3800  }
0x61: {  	s18 =	sshra.s32 s18, $0x2;
	[sflag:s24] =	ssyncset.done $0x0  }
0x62: {  	s20 =	sadd.s32 $0x2780, s18;
	[sflag:s24] =	ssyncadd.s32 $0xFFFFC800  }
0x63: {  	[spmem:s2] =	stream.indirect.scatter.add.f32 [tilespmem:s21], [sflag:$0x3], $0x80, s20, s22, $0xb8;
	v63 =	vld [tilespmem:$0x0]  }
0x64: {  	_ =	swait.ge [sflag:s25], $0x3800  }
0x65: {  	[sflag:s25] =	ssyncset.done $0x0  }
0x66: {  	s18 =	sadd.s32 $0x2800, s18;
	[sflag:s25] =	ssyncadd.s32 $0xFFFFC800  }
0x67: {  	[spmem:s2] =	stream.indirect.scatter.add.f32 [tilespmem:s23], [sflag:$0x4], $0x80, s18, s22, $0xb8;
	v63 =	vld [tilespmem:$0x0]  }
0x68: {  	_ =	swait.ge [sflag:s26], $0x3800  }
0x69: {  	[sflag:s26] =	ssyncset.done $0x0  }
.Ltmp1:
0x6a: {  	s18 =	sadd.s32 $0xFFFFFF90, s17;
	[sflag:s26] =	ssyncadd.s32 $0xFFFFC800;
	(pc) =	sbr.rel @p1 .LBB2_4-.Ltmp1, $4  }
0x6b: {  	[tilespmem:s21], [sflag:$0x1] =	stream.indirect.gather [hbm4b:s4+s22], $0x80, s18, s22, $0xb8;
	v63 =	vld [tilespmem:$0x0]  }
0x6c: {  	_ =	swait.ge [sflag:s28], $0x3800  }
0x6d: {  	[sflag:s28] =	ssyncset.done $0x0  }
0x6e: {  	s17 =	sadd.s32 $0xE0, s17;
	[sflag:s28] =	ssyncadd.s32 $0xFFFFC800  }
0x6f: {  	[tilespmem:s23], [sflag:$0x2] =	stream.indirect.gather [hbm4b:s4+s22], $0x80, s1, s22, $0xb8;
	v63 =	vld [tilespmem:$0x0]  }
0x70: {  	_ =	swait.ge [sflag:s24], $0x3800  }
0x71: {  	[sflag:s24] =	ssyncset.done $0x0  }
0x72: {  	[sflag:s24] =	ssyncadd.s32 $0xFFFFC800  }
0x73: {  	[spmem:s2] =	stream.indirect.scatter.add.f32 [tilespmem:s21], [sflag:$0x3], $0x80, s29, s22, $0xb8;
	v63 =	vld [tilespmem:$0x0]  }
0x74: {  	_ =	swait.ge [sflag:s25], $0x3800  }
0x75: {  	[sflag:s25] =	ssyncset.done $0x0  }
0x76: {  	[sflag:s25] =	ssyncadd.s32 $0xFFFFC800  }
0x77: {  	[spmem:s2] =	stream.indirect.scatter.add.f32 [tilespmem:s23], [sflag:$0x4], $0x80, s30, s22, $0xb8;
	v63 =	vld [tilespmem:$0x0]  }
0x78: {  	_ =	swait.ge [sflag:s26], $0x3800  }
0x79: {  	[sflag:s26] =	ssyncset.done $0x0  }
0x7a: {  	[sflag:s26] =	ssyncadd.s32 $0xFFFFC800  }
0x7b: {  	_ =	swait.ge [sflag:s28], $0x3800  }
0x7c: {  	s0 =	stileid.u32;
	[sflag:s28] =	ssyncset.done $0x0  }
0x7d: {  	s0 =	sshll.u32 s0, $0x6;
	[sflag:s28] =	ssyncadd.s32 $0xFFFFC800  }
0x7e: {  	s20 =	sshrl.u32 s7, $0x3;
	s0 =	sor.u32 $0x1C05, s0;
	[bflag:$0x0] =	sbarrier.arrive $0xFFFF  }
0x7f: {  	[hbm:s10], [sflag:s0] =	dma.local [spmem:s20], $0x2700  }
0x80: {  	_ =	swait.ge [sflag:s19], $0x2700  }
0x81: {  	s31 =	sadd.s32 $0x1, s31;
	[sflag:s19] =	ssyncset.done $0x0  }
0x82: {  	s1 =	sshrl.u32 @!p0 s9, $0x3;
	p1 =	sne.s32 s31, s12;
	[sflag:s19] =	ssyncadd.s32 $0xFFFFD900  }
0x83: {  	[hbm:s11], [sflag:s0] =	dma.local @!p0 [spmem:s1], $0x100  }
.Ltmp2:
0x84: {  	_ = 	snop;
	(pc) =	sbr.rel @p1 .LBB2_1-.Ltmp2, $4  }
0x85: {  	s0 =	simm.s32 @!p0 $0x5  }
0x86: {  	_ =	swait.ge @!p0 [sflag:s0], $0x100  }
0x87: {  	[sflag:s0] =	ssyncset.done @!p0 $0x0  }
0x88: {  	[sflag:s0] =	ssyncadd.s32 @!p0 $0xFFFFFF00  }
0x89: {  	_ =	sfence.sel $0x180000  }
0x8a: {  	[bflag:$0x0] =	sbarrier.arrive $0xFFFF  }
0x8b: {  	_ =	strace $0x90000047  }
0x8c: {  	s0 =	stileid.u32;
	[bflag:$0x2] =	sbarrier.arrive $0xFFFF  }
0x8d: {  	p0 =	sne.s32 s0, $0x0;
	s0 =	rddreg [dreg:$0x3]  }
0x8e: {  	s0 =	sadd.s32 @!p0 $0x100000, s0  }
0x8f: {  	[sflag:s0] =	ssyncadd.tile.s32 @!p0 $0x1;
	_ =	shalt  }
.Lfunc_end2:
_tile_overlayer_lowered:
.L_overlay_start_2:
0x90: {  	(tag) =	ssettag $0x2  }
0x91: {  	s0 =	rddreg [dreg:$0x0];
	s2 =	stileid.u32  }
0x92: {  	s1 =	rddreg [dreg:$0x1];
	p0 =	sne.s32 s2, $0x0  }
0x93: {  	s3 =	rddreg [dreg:$0x2];
	[bflag:$0x3] =	sbarrier.arrive $0xFFFF;
	s2 =	simm.s32 @!p0 $0x1C05  }
0x94: {  	[timem:s3], [sflag:s2] =	dma.local @!p0 [hbm:s0], s1  }
0x95: {  	s0 =	simm.s32 @!p0 $0x5  }
0x96: {  	_ =	swait.ge @!p0 [sflag:s0], s1  }
0x97: {  	s1 =	ssub.s32 @!p0 $0x0, s1;
	[sflag:s0] =	ssyncset.done @!p0 $0x0  }
0x98: {  	[sflag:s0] =	ssyncadd.s32 @!p0 s1  }
0x99: {  	[bflag:$0x3] =	sbarrier.arrive $0xFFFF  }
0x9a: {  	_ =	shalt  }

</sc_bundles>
